<compile_context>
chip_gen: v7x
topology: tpu7x:2x2x1
jax: 0.10.2.dev20260603
libtpu: 0.0.44.dev20260713+nightly
codegen_flags: <defaults>
</compile_context>

<pallas_src>
import functools

import jax
import jax.numpy as jnp
from jax import lax
from jax.experimental import pallas as pl
from jax.experimental.pallas import tpu as pltpu
from jax.experimental.pallas import tpu_sc as plsc

_NW = 32
_CL = 128
_BS = 128
def _sc_gather(n_chunks, d):
    assert n_chunks % 2 == 0
    tot = _NW * n_chunks * _CL
    mesh = plsc.VectorSubcoreMesh(core_axis_name="c", subcore_axis_name="s")

    @functools.partial(
        pl.kernel,
        mesh=mesh,
        out_type=jax.ShapeDtypeStruct((tot, d), jnp.float32),
        scratch_types=[
            pltpu.VMEM((n_chunks + 1, _CL), jnp.int32),
            pltpu.VMEM((_CL, d), jnp.float32),
            pltpu.VMEM((_CL, d), jnp.float32),
            pltpu.SemaphoreType.DMA,
            pltpu.SemaphoreType.DMA,
        ],
    )
    def gather(table, idx, out, idx_v, buf0, buf1, g0, g1):
        cid = lax.axis_index("c")
        sid = lax.axis_index("s")
        wid = sid * 2 + cid
        base = wid * (n_chunks * _CL)
        pltpu.sync_copy(idx.at[wid], idx_v)

        def chunk_in(c, buf, sem):
            pltpu.async_copy(table.at[idx_v.at[c]], buf, sem).wait()

        def store(c, buf, sem):
            return pltpu.make_async_copy(
                buf, out.at[pl.ds(base + c * _CL, _CL)], sem)

        chunk_in(0, buf0, g0)
        store(0, buf0, g0).start()
        chunk_in(1, buf1, g1)
        store(1, buf1, g1).start()

        def body(q, carry):
            c = 2 * q
            store(c - 2, buf0, g0).wait()
            chunk_in(c, buf0, g0)
            store(c, buf0, g0).start()
            store(c - 1, buf1, g1).wait()
            chunk_in(c + 1, buf1, g1)
            store(c + 1, buf1, g1).start()
            return carry

        lax.fori_loop(1, n_chunks // 2, body, 0)
        store(n_chunks - 2, buf0, g0).wait()
        store(n_chunks - 1, buf1, g1).wait()

    return gather


def _tc_body(k, eu_ref, self_ref, w1e_ref, w1s_ref, b1_ref, w2_ref, b2_ref,
             w3_ref, out_ref):
    bs = _BS
    d = self_ref.shape[1]
    e_u = eu_ref[...]
    s_f = self_ref[...]
    u1 = jnp.dot(s_f, w1s_ref[...], preferred_element_type=jnp.float32)
    u1r = jnp.broadcast_to(u1[:, None, :], (bs, k, d)).reshape(bs * k, d)
    h = jnp.dot(e_u, w1e_ref[...], preferred_element_type=jnp.float32)
    h = jnp.maximum(h + u1r + b1_ref[...], 0.0)
    h = jnp.dot(h, w2_ref[...], preferred_element_type=jnp.float32)
    h = jnp.maximum(h + b2_ref[...], 0.0)
    s = jnp.sum(h * w3_ref[...], axis=1, keepdims=True)
    s3 = s.reshape(bs, k, 1)
    m = jnp.max(s3, axis=1, keepdims=True)
    e = jnp.exp(s3 - m)
    w = e / jnp.sum(e, axis=1, keepdims=True)
    att = jnp.sum(w * e_u.reshape(bs, k, d), axis=1)
    out_ref[...] = (att + s_f) * 0.5


def _tc_mlp(bp, k, d, eu_rows):
    grid = bp // _BS
    body = functools.partial(_tc_body, k)
    return pl.pallas_call(
        body,
        grid=(grid,),
        in_specs=[
            pl.BlockSpec((_BS * k, d), lambda i: (i, 0)),
            pl.BlockSpec((_BS, d), lambda i: (eu_rows // _BS + i, 0)),
            pl.BlockSpec((d, d), lambda i: (0, 0)),
            pl.BlockSpec((d, d), lambda i: (0, 0)),
            pl.BlockSpec((1, d), lambda i: (0, 0)),
            pl.BlockSpec((d, d), lambda i: (0, 0)),
            pl.BlockSpec((1, d), lambda i: (0, 0)),
            pl.BlockSpec((1, d), lambda i: (0, 0)),
        ],
        out_specs=pl.BlockSpec((_BS, d), lambda i: (i, 0)),
        out_shape=jax.ShapeDtypeStruct((bp, d), jnp.float32),
    )


def kernel(nodes, to_neighs, u2e_weight, att1_W, att1_b, att2_W, att2_b,
           att3_W, att3_b):
    b = nodes.shape[0]
    k = to_neighs.shape[1]
    d = u2e_weight.shape[1]
    bp = ((b + _BS - 1) // _BS) * _BS
    eu_rows = bp * k
    raw = eu_rows + bp
    chunk = _NW * _CL
    n_chunks = (raw + chunk - 1) // chunk
    n_chunks += n_chunks % 2
    tot = n_chunks * chunk

    neigh = to_neighs[:, :, 0].astype(jnp.int32).reshape(b * k)
    nid = nodes.astype(jnp.int32)
    idx = jnp.concatenate([
        neigh,
        jnp.zeros((eu_rows - b * k,), jnp.int32),
        nid,
        jnp.zeros((tot - eu_rows - b,), jnp.int32),
    ]).reshape(_NW, n_chunks, _CL)
    idx = jnp.pad(idx, ((0, 0), (0, 1), (0, 0)))

    rows = _sc_gather(n_chunks, d)(u2e_weight, idx)

    w1e = att1_W[:d]
    w1s = att1_W[d:]
    out = _tc_mlp(bp, k, d, eu_rows)(
        rows, rows, w1e, w1s, att1_b.reshape(1, d), att2_W,
        att2_b.reshape(1, d), att3_W.reshape(1, d))
    return out[:b]

# --- scband reference (transcript-rebuilt; emitter-appended) ---
"""Pipeline reference for scband-ppaggregator-53463752900616 (READ-ONLY COPY).

The authoritative reference and input builder live on the scoring server;
editing this copy changes nothing except your own understanding.
"""

import jax, jax.numpy as jnp
import numpy as np

N_NODES = 100000
EMBED_DIM = 128
B = 10000
K = 32


def setup_inputs(seed: int = 0) -> dict:
    key = jax.random.key(seed)
    ks = jax.random.split(key, 9)
    nodes = jax.random.randint(ks[0], (B,), 0, N_NODES)
    to_neighs = jax.random.randint(ks[1], (B, K, 2), 0, N_NODES)
    u2e_weight = jax.random.normal(ks[2], (N_NODES, EMBED_DIM), dtype=jnp.float32) * 0.1
    s1 = 1.0 / np.sqrt(2 * EMBED_DIM)
    att1_W = jax.random.uniform(ks[3], (2 * EMBED_DIM, EMBED_DIM), jnp.float32, -s1, s1)
    att1_b = jax.random.uniform(ks[4], (EMBED_DIM,), jnp.float32, -s1, s1)
    s2 = 1.0 / np.sqrt(EMBED_DIM)
    att2_W = jax.random.uniform(ks[5], (EMBED_DIM, EMBED_DIM), jnp.float32, -s2, s2)
    att2_b = jax.random.uniform(ks[6], (EMBED_DIM,), jnp.float32, -s2, s2)
    att3_W = jax.random.uniform(ks[7], (EMBED_DIM, 1), jnp.float32, -s2, s2)
    att3_b = jax.random.uniform(ks[8], (1,), jnp.float32, -s2, s2)
    return {
        "nodes": nodes,
        "to_neighs": to_neighs,
        "u2e_weight": u2e_weight,
        "att1_W": att1_W,
        "att1_b": att1_b,
        "att2_W": att2_W,
        "att2_b": att2_b,
        "att3_W": att3_W,
        "att3_b": att3_b,
    }


def reference(nodes, to_neighs, u2e_weight, att1_W, att1_b, att2_W, att2_b, att3_W, att3_b):
    # self features gathered from embedding table: self_feats = u2e.weight[nodes]
    self_feats = jnp.take(u2e_weight, nodes, axis=0)  # [B, d]
    # neighbor ids: [x[0] for x in tmp_adj] for each seed node (fixed degree K)
    neigh_ids = to_neighs[:, :, 0]  # [B, K]
    e_u = jnp.take(u2e_weight, neigh_ids, axis=0)  # [B, K, d]
    # Attention (GraphRec-style): u_rep repeated over neighbors, concat, 3-layer MLP, softmax over neighbors
    u_rep = jnp.broadcast_to(self_feats[:, None, :], e_u.shape)  # [B, K, d]
    x = jnp.concatenate([e_u, u_rep], axis=-1)  # [B, K, 2d]
    h = jax.nn.relu(x @ att1_W + att1_b)
    h = jax.nn.relu(h @ att2_W + att2_b)
    s = h @ att3_W + att3_b  # [B, K, 1]
    att_w = jax.nn.softmax(s, axis=1)  # softmax over neighbors (dim=0 per node in torch loop)
    # att_history = (e_u.T @ att_w).T  -> weighted sum over neighbors
    att_history = jnp.sum(att_w * e_u, axis=1)  # [B, d]
    embed_matrix = (att_history + self_feats) / 2.0
    return embed_matrix

if __name__ == "__main__":
    import jax
    _d = setup_inputs()
    print(jax.jit(kernel)(*tuple(_d.values())))

</pallas_src>

<mosaic_0001>
#map = affine_map<(d0, d1) -> (0, 0)>
#map1 = affine_map<(d0, d1) -> (0, 0, 0)>
module attributes {stable_mosaic.version = 14 : i64} {
  func.func @gather(%arg0: i32, %arg1: i32, %arg2: memref<100000x128xf32, #tpu.memory_space<hbm>>, %arg3: memref<32x83x128xi32, #tpu.memory_space<hbm>>, %arg4: memref<335872x128xf32, #tpu.memory_space<hbm>>, %arg5: memref<83x128xi32, #tpu.memory_space<vmem>>, %arg6: memref<128x128xf32, #tpu.memory_space<vmem>>, %arg7: memref<128x128xf32, #tpu.memory_space<vmem>>, %arg8: memref<!tpu.dma_semaphore, #tpu.memory_space<semaphore_mem>>, %arg9: memref<!tpu.dma_semaphore, #tpu.memory_space<semaphore_mem>>) attributes {dimension_semantics = [#tpu.dimension_semantics<core_parallel>, #tpu.dimension_semantics<subcore_parallel>], iteration_bounds = array<i64: 2, 16>, scalar_prefetch = 0 : i64, scratch_operands = 5 : i64, tpu.core_type = #tpu.core_type<sc_vector_subcore>, window_params = [{transform_indices = #map}, {transform_indices = #map1}, {transform_indices = #map}]} {
    %mul3A = arith.constant 2 : i32
    %mul3A_0 = arith.muli %arg1, %mul3A : i32
    %add3A = arith.addi %mul3A_0, %arg0 : i32
    %mul3A_1 = arith.constant 10496 : i32
    %mul3A_2 = arith.muli %add3A, %mul3A_1 : i32
    "tpu.region"() ({
      %run_scoped3A = tpu.sem_alloc : memref<!tpu.dma_semaphore, #tpu.memory_space<semaphore_mem>>
      %dma_start3A_58 = arith.constant 0 : i32
      %dma_start3A_59 = arith.constant 0 : i32
      %dma_start3A_60 = tpu.memref_slice %arg3[%add3A, %dma_start3A_58, %dma_start3A_59] : memref<32x83x128xi32, #tpu.memory_space<hbm>> -> memref<1x83x128xi32, #tpu.memory_space<hbm>>
      %dma_start3A_61 = tpu.memref_squeeze %dma_start3A_60 : memref<1x83x128xi32, #tpu.memory_space<hbm>> -> memref<83x128xi32, #tpu.memory_space<hbm>>
      %dma_start3A_62 = arith.constant 0 : i32
      %dma_start3A_63 = arith.constant 0 : i32
      %dma_start3A_64 = tpu.memref_slice %arg3[%add3A, %dma_start3A_62, %dma_start3A_63] : memref<32x83x128xi32, #tpu.memory_space<hbm>> -> memref<1x83x128xi32, #tpu.memory_space<hbm>>
      %dma_start3A_65 = tpu.memref_squeeze %dma_start3A_64 : memref<1x83x128xi32, #tpu.memory_space<hbm>> -> memref<83x128xi32, #tpu.memory_space<hbm>>
      tpu.enqueue_dma source(%dma_start3A_65 : memref<83x128xi32, #tpu.memory_space<hbm>>) target(%arg5 : memref<83x128xi32, #tpu.memory_space<vmem>>) target_semaphore(%run_scoped3A : memref<!tpu.dma_semaphore, #tpu.memory_space<semaphore_mem>>)
      %dma_wait3A_66 = arith.constant 0 : i32
      %dma_wait3A_67 = arith.constant 0 : i32
      %dma_wait3A_68 = tpu.memref_slice %arg3[%add3A, %dma_wait3A_66, %dma_wait3A_67] : memref<32x83x128xi32, #tpu.memory_space<hbm>> -> memref<1x83x128xi32, #tpu.memory_space<hbm>>
      %dma_wait3A_69 = tpu.memref_squeeze %dma_wait3A_68 : memref<1x83x128xi32, #tpu.memory_space<hbm>> -> memref<83x128xi32, #tpu.memory_space<hbm>>
      %dma_wait3A_70 = arith.constant 0 : i32
      %dma_wait3A_71 = arith.constant 0 : i32
      %dma_wait3A_72 = tpu.memref_slice %arg3[%add3A, %dma_wait3A_70, %dma_wait3A_71] : memref<32x83x128xi32, #tpu.memory_space<hbm>> -> memref<1x83x128xi32, #tpu.memory_space<hbm>>
      %dma_wait3A_73 = tpu.memref_squeeze %dma_wait3A_72 : memref<1x83x128xi32, #tpu.memory_space<hbm>> -> memref<83x128xi32, #tpu.memory_space<hbm>>
      tpu.wait_dma2 semaphore(%run_scoped3A : memref<!tpu.dma_semaphore, #tpu.memory_space<semaphore_mem>>) src(%dma_wait3A_73 : memref<83x128xi32, #tpu.memory_space<hbm>>) dst(%arg5 : memref<83x128xi32, #tpu.memory_space<vmem>>)
      tpu.yield
    }) : () -> ()
    %dma_start3A = arith.constant 0 : i32
    %dma_start3A_3 = arith.constant 0 : i32
    %dma_start3A_4 = tpu.memref_slice %arg5[%dma_start3A, %dma_start3A_3] : memref<83x128xi32, #tpu.memory_space<vmem>> -> memref<1x128xi32, #tpu.memory_space<vmem>>
    %dma_start3A_5 = tpu.memref_squeeze %dma_start3A_4 : memref<1x128xi32, #tpu.memory_space<vmem>> -> memref<128xi32, #tpu.memory_space<vmem>>
    %dma_start3A_6 = arith.constant 0 : i32
    %dma_start3A_7 = arith.constant 0 : i32
    %dma_start3A_8 = tpu.memref_slice %arg2[%dma_start3A_6, %dma_start3A_7] : memref<100000x128xf32, #tpu.memory_space<hbm>> -> memref<100000x128xf32, #tpu.memory_space<hbm>>
    tpu.enqueue_indirect_dma source(%dma_start3A_8 : memref<100000x128xf32, #tpu.memory_space<hbm>>) target(%arg6 : memref<128x128xf32, #tpu.memory_space<vmem>>) offsets(%dma_start3A_5 : memref<128xi32, #tpu.memory_space<vmem>>) semaphore(%arg8 : memref<!tpu.dma_semaphore, #tpu.memory_space<semaphore_mem>>)
    %dma_wait3A = arith.constant 0 : i32
    %dma_wait3A_9 = arith.constant 0 : i32
    %dma_wait3A_10 = tpu.memref_slice %arg5[%dma_wait3A, %dma_wait3A_9] : memref<83x128xi32, #tpu.memory_space<vmem>> -> memref<1x128xi32, #tpu.memory_space<vmem>>
    %dma_wait3A_11 = tpu.memref_squeeze %dma_wait3A_10 : memref<1x128xi32, #tpu.memory_space<vmem>> -> memref<128xi32, #tpu.memory_space<vmem>>
    %dma_wait3A_12 = arith.constant 0 : i32
    %dma_wait3A_13 = arith.constant 0 : i32
    %dma_wait3A_14 = tpu.memref_slice %arg2[%dma_wait3A_12, %dma_wait3A_13] : memref<100000x128xf32, #tpu.memory_space<hbm>> -> memref<100000x128xf32, #tpu.memory_space<hbm>>
    tpu.wait_indirect_dma semaphore(%arg8 : memref<!tpu.dma_semaphore, #tpu.memory_space<semaphore_mem>>) src(%dma_wait3A_14 : memref<100000x128xf32, #tpu.memory_space<hbm>>) dst(%arg6 : memref<128x128xf32, #tpu.memory_space<vmem>>)
    %add3A_15 = arith.constant 0 : i32
    %add3A_16 = arith.addi %mul3A_2, %add3A_15 : i32
    %dma_start3A_17 = arith.constant 0 : i32
    %dma_start3A_18 = tpu.memref_slice %arg4[%add3A_16, %dma_start3A_17] : memref<335872x128xf32, #tpu.memory_space<hbm>> -> memref<128x128xf32, #tpu.memory_space<hbm>>
    %dma_start3A_19 = arith.constant 0 : i32
    %dma_start3A_20 = tpu.memref_slice %arg4[%add3A_16, %dma_start3A_19] : memref<335872x128xf32, #tpu.memory_space<hbm>> -> memref<128x128xf32, #tpu.memory_space<hbm>>
    tpu.enqueue_dma source(%arg6 : memref<128x128xf32, #tpu.memory_space<vmem>>) target(%dma_start3A_20 : memref<128x128xf32, #tpu.memory_space<hbm>>) target_semaphore(%arg8 : memref<!tpu.dma_semaphore, #tpu.memory_space<semaphore_mem>>)
    %dma_start3A_21 = arith.constant 1 : i32
    %dma_start3A_22 = arith.constant 0 : i32
    %dma_start3A_23 = tpu.memref_slice %arg5[%dma_start3A_21, %dma_start3A_22] : memref<83x128xi32, #tpu.memory_space<vmem>> -> memref<1x128xi32, #tpu.memory_space<vmem>>
    %dma_start3A_24 = tpu.memref_squeeze %dma_start3A_23 : memref<1x128xi32, #tpu.memory_space<vmem>> -> memref<128xi32, #tpu.memory_space<vmem>>
    %dma_start3A_25 = arith.constant 0 : i32
    %dma_start3A_26 = arith.constant 0 : i32
    %dma_start3A_27 = tpu.memref_slice %arg2[%dma_start3A_25, %dma_start3A_26] : memref<100000x128xf32, #tpu.memory_space<hbm>> -> memref<100000x128xf32, #tpu.memory_space<hbm>>
    tpu.enqueue_indirect_dma source(%dma_start3A_27 : memref<100000x128xf32, #tpu.memory_space<hbm>>) target(%arg7 : memref<128x128xf32, #tpu.memory_space<vmem>>) offsets(%dma_start3A_24 : memref<128xi32, #tpu.memory_space<vmem>>) semaphore(%arg9 : memref<!tpu.dma_semaphore, #tpu.memory_space<semaphore_mem>>)
    %dma_wait3A_28 = arith.constant 1 : i32
    %dma_wait3A_29 = arith.constant 0 : i32
    %dma_wait3A_30 = tpu.memref_slice %arg5[%dma_wait3A_28, %dma_wait3A_29] : memref<83x128xi32, #tpu.memory_space<vmem>> -> memref<1x128xi32, #tpu.memory_space<vmem>>
    %dma_wait3A_31 = tpu.memref_squeeze %dma_wait3A_30 : memref<1x128xi32, #tpu.memory_space<vmem>> -> memref<128xi32, #tpu.memory_space<vmem>>
    %dma_wait3A_32 = arith.constant 0 : i32
    %dma_wait3A_33 = arith.constant 0 : i32
    %dma_wait3A_34 = tpu.memref_slice %arg2[%dma_wait3A_32, %dma_wait3A_33] : memref<100000x128xf32, #tpu.memory_space<hbm>> -> memref<100000x128xf32, #tpu.memory_space<hbm>>
    tpu.wait_indirect_dma semaphore(%arg9 : memref<!tpu.dma_semaphore, #tpu.memory_space<semaphore_mem>>) src(%dma_wait3A_34 : memref<100000x128xf32, #tpu.memory_space<hbm>>) dst(%arg7 : memref<128x128xf32, #tpu.memory_space<vmem>>)
    %add3A_35 = arith.constant 128 : i32
    %add3A_36 = arith.addi %mul3A_2, %add3A_35 : i32
    %dma_start3A_37 = arith.constant 0 : i32
    %dma_start3A_38 = tpu.memref_slice %arg4[%add3A_36, %dma_start3A_37] : memref<335872x128xf32, #tpu.memory_space<hbm>> -> memref<128x128xf32, #tpu.memory_space<hbm>>
    %dma_start3A_39 = arith.constant 0 : i32
    %dma_start3A_40 = tpu.memref_slice %arg4[%add3A_36, %dma_start3A_39] : memref<335872x128xf32, #tpu.memory_space<hbm>> -> memref<128x128xf32, #tpu.memory_space<hbm>>
    tpu.enqueue_dma source(%arg7 : memref<128x128xf32, #tpu.memory_space<vmem>>) target(%dma_start3A_40 : memref<128x128xf32, #tpu.memory_space<hbm>>) target_semaphore(%arg9 : memref<!tpu.dma_semaphore, #tpu.memory_space<semaphore_mem>>)
    %scan3A = arith.constant 0 : i32
    %scan3A_41 = arith.constant 1 : i32
    %scan3A_42 = arith.constant 40 : i32
    %scan3A_43 = arith.addi %scan3A_41, %scan3A_42 : i32
    %scan3A_44 = arith.constant 1 : i32
    scf.for %scan3A_58 = %scan3A_41 to %scan3A_43 step %scan3A_44  : i32 {
      %mul3A_59 = arith.constant 2 : i32
      %mul3A_60 = arith.muli %mul3A_59, %scan3A_58 : i32
      %sub3A = arith.constant 2 : i32
      %sub3A_61 = arith.subi %mul3A_60, %sub3A : i32
      %mul3A_62 = arith.constant 128 : i32
      %mul3A_63 = arith.muli %sub3A_61, %mul3A_62 : i32
      %add3A_64 = arith.addi %mul3A_2, %mul3A_63 : i32
      %dma_wait3A_65 = arith.constant 0 : i32
      %dma_wait3A_66 = tpu.memref_slice %arg4[%add3A_64, %dma_wait3A_65] : memref<335872x128xf32, #tpu.memory_space<hbm>> -> memref<128x128xf32, #tpu.memory_space<hbm>>
      %dma_wait3A_67 = arith.constant 0 : i32
      %dma_wait3A_68 = tpu.memref_slice %arg4[%add3A_64, %dma_wait3A_67] : memref<335872x128xf32, #tpu.memory_space<hbm>> -> memref<128x128xf32, #tpu.memory_space<hbm>>
      tpu.wait_dma2 semaphore(%arg8 : memref<!tpu.dma_semaphore, #tpu.memory_space<semaphore_mem>>) src(%arg6 : memref<128x128xf32, #tpu.memory_space<vmem>>) dst(%dma_wait3A_68 : memref<128x128xf32, #tpu.memory_space<hbm>>)
      %dma_start3A_69 = arith.constant 0 : i32
      %dma_start3A_70 = tpu.memref_slice %arg5[%mul3A_60, %dma_start3A_69] : memref<83x128xi32, #tpu.memory_space<vmem>> -> memref<1x128xi32, #tpu.memory_space<vmem>>
      %dma_start3A_71 = tpu.memref_squeeze %dma_start3A_70 : memref<1x128xi32, #tpu.memory_space<vmem>> -> memref<128xi32, #tpu.memory_space<vmem>>
      %dma_start3A_72 = arith.constant 0 : i32
      %dma_start3A_73 = arith.constant 0 : i32
      %dma_start3A_74 = tpu.memref_slice %arg2[%dma_start3A_72, %dma_start3A_73] : memref<100000x128xf32, #tpu.memory_space<hbm>> -> memref<100000x128xf32, #tpu.memory_space<hbm>>
      tpu.enqueue_indirect_dma source(%dma_start3A_74 : memref<100000x128xf32, #tpu.memory_space<hbm>>) target(%arg6 : memref<128x128xf32, #tpu.memory_space<vmem>>) offsets(%dma_start3A_71 : memref<128xi32, #tpu.memory_space<vmem>>) semaphore(%arg8 : memref<!tpu.dma_semaphore, #tpu.memory_space<semaphore_mem>>)
      %dma_wait3A_75 = arith.constant 0 : i32
      %dma_wait3A_76 = tpu.memref_slice %arg5[%mul3A_60, %dma_wait3A_75] : memref<83x128xi32, #tpu.memory_space<vmem>> -> memref<1x128xi32, #tpu.memory_space<vmem>>
      %dma_wait3A_77 = tpu.memref_squeeze %dma_wait3A_76 : memref<1x128xi32, #tpu.memory_space<vmem>> -> memref<128xi32, #tpu.memory_space<vmem>>
      %dma_wait3A_78 = arith.constant 0 : i32
      %dma_wait3A_79 = arith.constant 0 : i32
      %dma_wait3A_80 = tpu.memref_slice %arg2[%dma_wait3A_78, %dma_wait3A_79] : memref<100000x128xf32, #tpu.memory_space<hbm>> -> memref<100000x128xf32, #tpu.memory_space<hbm>>
      tpu.wait_indirect_dma semaphore(%arg8 : memref<!tpu.dma_semaphore, #tpu.memory_space<semaphore_mem>>) src(%dma_wait3A_80 : memref<100000x128xf32, #tpu.memory_space<hbm>>) dst(%arg6 : memref<128x128xf32, #tpu.memory_space<vmem>>)
      %mul3A_81 = arith.constant 128 : i32
      %mul3A_82 = arith.muli %mul3A_60, %mul3A_81 : i32
      %add3A_83 = arith.addi %mul3A_2, %mul3A_82 : i32
      %dma_start3A_84 = arith.constant 0 : i32
      %dma_start3A_85 = tpu.memref_slice %arg4[%add3A_83, %dma_start3A_84] : memref<335872x128xf32, #tpu.memory_space<hbm>> -> memref<128x128xf32, #tpu.memory_space<hbm>>
      %dma_start3A_86 = arith.constant 0 : i32
      %dma_start3A_87 = tpu.memref_slice %arg4[%add3A_83, %dma_start3A_86] : memref<335872x128xf32, #tpu.memory_space<hbm>> -> memref<128x128xf32, #tpu.memory_space<hbm>>
      tpu.enqueue_dma source(%arg6 : memref<128x128xf32, #tpu.memory_space<vmem>>) target(%dma_start3A_87 : memref<128x128xf32, #tpu.memory_space<hbm>>) target_semaphore(%arg8 : memref<!tpu.dma_semaphore, #tpu.memory_space<semaphore_mem>>)
      %sub3A_88 = arith.constant 1 : i32
      %sub3A_89 = arith.subi %mul3A_60, %sub3A_88 : i32
      %mul3A_90 = arith.constant 128 : i32
      %mul3A_91 = arith.muli %sub3A_89, %mul3A_90 : i32
      %add3A_92 = arith.addi %mul3A_2, %mul3A_91 : i32
      %dma_wait3A_93 = arith.constant 0 : i32
      %dma_wait3A_94 = tpu.memref_slice %arg4[%add3A_92, %dma_wait3A_93] : memref<335872x128xf32, #tpu.memory_space<hbm>> -> memref<128x128xf32, #tpu.memory_space<hbm>>
      %dma_wait3A_95 = arith.constant 0 : i32
      %dma_wait3A_96 = tpu.memref_slice %arg4[%add3A_92, %dma_wait3A_95] : memref<335872x128xf32, #tpu.memory_space<hbm>> -> memref<128x128xf32, #tpu.memory_space<hbm>>
      tpu.wait_dma2 semaphore(%arg9 : memref<!tpu.dma_semaphore, #tpu.memory_space<semaphore_mem>>) src(%arg7 : memref<128x128xf32, #tpu.memory_space<vmem>>) dst(%dma_wait3A_96 : memref<128x128xf32, #tpu.memory_space<hbm>>)
      %add3A_97 = arith.constant 1 : i32
      %add3A_98 = arith.addi %mul3A_60, %add3A_97 : i32
      %dma_start3A_99 = arith.constant 0 : i32
      %dma_start3A_100 = tpu.memref_slice %arg5[%add3A_98, %dma_start3A_99] : memref<83x128xi32, #tpu.memory_space<vmem>> -> memref<1x128xi32, #tpu.memory_space<vmem>>
      %dma_start3A_101 = tpu.memref_squeeze %dma_start3A_100 : memref<1x128xi32, #tpu.memory_space<vmem>> -> memref<128xi32, #tpu.memory_space<vmem>>
      %dma_start3A_102 = arith.constant 0 : i32
      %dma_start3A_103 = arith.constant 0 : i32
      %dma_start3A_104 = tpu.memref_slice %arg2[%dma_start3A_102, %dma_start3A_103] : memref<100000x128xf32, #tpu.memory_space<hbm>> -> memref<100000x128xf32, #tpu.memory_space<hbm>>
      tpu.enqueue_indirect_dma source(%dma_start3A_104 : memref<100000x128xf32, #tpu.memory_space<hbm>>) target(%arg7 : memref<128x128xf32, #tpu.memory_space<vmem>>) offsets(%dma_start3A_101 : memref<128xi32, #tpu.memory_space<vmem>>) semaphore(%arg9 : memref<!tpu.dma_semaphore, #tpu.memory_space<semaphore_mem>>)
      %dma_wait3A_105 = arith.constant 0 : i32
      %dma_wait3A_106 = tpu.memref_slice %arg5[%add3A_98, %dma_wait3A_105] : memref<83x128xi32, #tpu.memory_space<vmem>> -> memref<1x128xi32, #tpu.memory_space<vmem>>
      %dma_wait3A_107 = tpu.memref_squeeze %dma_wait3A_106 : memref<1x128xi32, #tpu.memory_space<vmem>> -> memref<128xi32, #tpu.memory_space<vmem>>
      %dma_wait3A_108 = arith.constant 0 : i32
      %dma_wait3A_109 = arith.constant 0 : i32
      %dma_wait3A_110 = tpu.memref_slice %arg2[%dma_wait3A_108, %dma_wait3A_109] : memref<100000x128xf32, #tpu.memory_space<hbm>> -> memref<100000x128xf32, #tpu.memory_space<hbm>>
      tpu.wait_indirect_dma semaphore(%arg9 : memref<!tpu.dma_semaphore, #tpu.memory_space<semaphore_mem>>) src(%dma_wait3A_110 : memref<100000x128xf32, #tpu.memory_space<hbm>>) dst(%arg7 : memref<128x128xf32, #tpu.memory_space<vmem>>)
      %add3A_111 = arith.constant 1 : i32
      %add3A_112 = arith.addi %mul3A_60, %add3A_111 : i32
      %mul3A_113 = arith.constant 128 : i32
      %mul3A_114 = arith.muli %add3A_112, %mul3A_113 : i32
      %add3A_115 = arith.addi %mul3A_2, %mul3A_114 : i32
      %dma_start3A_116 = arith.constant 0 : i32
      %dma_start3A_117 = tpu.memref_slice %arg4[%add3A_115, %dma_start3A_116] : memref<335872x128xf32, #tpu.memory_space<hbm>> -> memref<128x128xf32, #tpu.memory_space<hbm>>
      %dma_start3A_118 = arith.constant 0 : i32
      %dma_start3A_119 = tpu.memref_slice %arg4[%add3A_115, %dma_start3A_118] : memref<335872x128xf32, #tpu.memory_space<hbm>> -> memref<128x128xf32, #tpu.memory_space<hbm>>
      tpu.enqueue_dma source(%arg7 : memref<128x128xf32, #tpu.memory_space<vmem>>) target(%dma_start3A_119 : memref<128x128xf32, #tpu.memory_space<hbm>>) target_semaphore(%arg9 : memref<!tpu.dma_semaphore, #tpu.memory_space<semaphore_mem>>)
    }
    %scan3A_45 = arith.constant 40 : i32
    %add3A_46 = arith.constant 10240 : i32
    %add3A_47 = arith.addi %mul3A_2, %add3A_46 : i32
    %dma_wait3A_48 = arith.constant 0 : i32
    %dma_wait3A_49 = tpu.memref_slice %arg4[%add3A_47, %dma_wait3A_48] : memref<335872x128xf32, #tpu.memory_space<hbm>> -> memref<128x128xf32, #tpu.memory_space<hbm>>
    %dma_wait3A_50 = arith.constant 0 : i32
    %dma_wait3A_51 = tpu.memref_slice %arg4[%add3A_47, %dma_wait3A_50] : memref<335872x128xf32, #tpu.memory_space<hbm>> -> memref<128x128xf32, #tpu.memory_space<hbm>>
    tpu.wait_dma2 semaphore(%arg8 : memref<!tpu.dma_semaphore, #tpu.memory_space<semaphore_mem>>) src(%arg6 : memref<128x128xf32, #tpu.memory_space<vmem>>) dst(%dma_wait3A_51 : memref<128x128xf32, #tpu.memory_space<hbm>>)
    %add3A_52 = arith.constant 10368 : i32
    %add3A_53 = arith.addi %mul3A_2, %add3A_52 : i32
    %dma_wait3A_54 = arith.constant 0 : i32
    %dma_wait3A_55 = tpu.memref_slice %arg4[%add3A_53, %dma_wait3A_54] : memref<335872x128xf32, #tpu.memory_space<hbm>> -> memref<128x128xf32, #tpu.memory_space<hbm>>
    %dma_wait3A_56 = arith.constant 0 : i32
    %dma_wait3A_57 = tpu.memref_slice %arg4[%add3A_53, %dma_wait3A_56] : memref<335872x128xf32, #tpu.memory_space<hbm>> -> memref<128x128xf32, #tpu.memory_space<hbm>>
    tpu.wait_dma2 semaphore(%arg9 : memref<!tpu.dma_semaphore, #tpu.memory_space<semaphore_mem>>) src(%arg7 : memref<128x128xf32, #tpu.memory_space<vmem>>) dst(%dma_wait3A_57 : memref<128x128xf32, #tpu.memory_space<hbm>>)
    return
  }
}

module attributes {stable_mosaic.version = 14 : i64} {
  func.func @_tc_body(%arg0: i32, %arg1: memref<4096x128xf32, #tpu.memory_space<vmem>>, %arg2: memref<128x128xf32, #tpu.memory_space<vmem>>, %arg3: memref<128x128xf32, #tpu.memory_space<vmem>>, %arg4: memref<128x128xf32, #tpu.memory_space<vmem>>, %arg5: memref<1x128xf32, #tpu.memory_space<vmem>>, %arg6: memref<128x128xf32, #tpu.memory_space<vmem>>, %arg7: memref<1x128xf32, #tpu.memory_space<vmem>>, %arg8: memref<1x128xf32, #tpu.memory_space<vmem>>, %arg9: memref<128x128xf32, #tpu.memory_space<vmem>>) attributes {dimension_semantics = [#tpu.dimension_semantics<arbitrary>], iteration_bounds = array<i64: 79>, scalar_prefetch = 0 : i64, scratch_operands = 0 : i64, tpu.core_type = #tpu.core_type<tc>, window_params = [{transform_indices = @transform_0, window_bounds = array<i64: 4096, 128>}, {transform_indices = @transform_1, window_bounds = array<i64: 128, 128>}, {pipeline_mode = #tpu.pipeline_mode<synchronous>, transform_indices = @transform_2, window_bounds = array<i64: 128, 128>}, {pipeline_mode = #tpu.pipeline_mode<synchronous>, transform_indices = @transform_3, window_bounds = array<i64: 128, 128>}, {pipeline_mode = #tpu.pipeline_mode<synchronous>, transform_indices = @transform_4, window_bounds = array<i64: 1, 128>}, {pipeline_mode = #tpu.pipeline_mode<synchronous>, transform_indices = @transform_5, window_bounds = array<i64: 128, 128>}, {pipeline_mode = #tpu.pipeline_mode<synchronous>, transform_indices = @transform_6, window_bounds = array<i64: 1, 128>}, {pipeline_mode = #tpu.pipeline_mode<synchronous>, transform_indices = @transform_7, window_bounds = array<i64: 1, 128>}, {transform_indices = @transform_8, window_bounds = array<i64: 128, 128>}]} {
    %get3A = arith.constant 0 : index
    %get3A_0 = arith.constant 0 : index
    %get3A_1 = vector.load %arg1[%get3A, %get3A_0] : memref<4096x128xf32, #tpu.memory_space<vmem>>, vector<4096x128xf32>
    %get3A_2 = arith.constant 0 : index
    %get3A_3 = arith.constant 0 : index
    %get3A_4 = vector.load %arg2[%get3A_2, %get3A_3] : memref<128x128xf32, #tpu.memory_space<vmem>>, vector<128x128xf32>
    %get3A_5 = arith.constant 0 : index
    %get3A_6 = arith.constant 0 : index
    %get3A_7 = vector.load %arg4[%get3A_5, %get3A_6] : memref<128x128xf32, #tpu.memory_space<vmem>>, vector<128x128xf32>
    %dot_general3A = arith.constant dense<0.000000e+00> : vector<128x128xf32>
    %dot_general3A_8 = tpu.matmul %get3A_4, %get3A_7, %dot_general3A {dimension_numbers = #tpu.dot_dimension_numbers<[1], [0], [0], [1], [0, 0, 1, 1], [], []>, transpose_lhs_hint = false} : vector<128x128xf32>, vector<128x128xf32>, vector<128x128xf32> -> vector<128x128xf32>
    %broadcast_in_dim3A = vector.shape_cast %dot_general3A_8 : vector<128x128xf32> to vector<128x1x128xf32>
    %broadcast_in_dim3A_9 = vector.shape_cast %broadcast_in_dim3A : vector<128x1x128xf32> to vector<128x1x128xf32>
    %broadcast_in_dim3A_10 = vector.broadcast %broadcast_in_dim3A_9 : vector<128x1x128xf32> to vector<128x32x128xf32>
    %reshape3A = vector.shape_cast %broadcast_in_dim3A_10 : vector<128x32x128xf32> to vector<4096x128xf32>
    %get3A_11 = arith.constant 0 : index
    %get3A_12 = arith.constant 0 : index
    %get3A_13 = vector.load %arg3[%get3A_11, %get3A_12] : memref<128x128xf32, #tpu.memory_space<vmem>>, vector<128x128xf32>
    %dot_general3A_14 = arith.constant dense<0.000000e+00> : vector<4096x128xf32>
    %dot_general3A_15 = tpu.matmul %get3A_1, %get3A_13, %dot_general3A_14 {dimension_numbers = #tpu.dot_dimension_numbers<[1], [0], [0], [1], [0, 0, 1, 1], [], []>, transpose_lhs_hint = false} : vector<4096x128xf32>, vector<128x128xf32>, vector<4096x128xf32> -> vector<4096x128xf32>
    %add3A = arith.addf %dot_general3A_15, %reshape3A : vector<4096x128xf32>
    %get3A_16 = arith.constant 0 : index
    %get3A_17 = arith.constant 0 : index
    %get3A_18 = vector.load %arg5[%get3A_16, %get3A_17] : memref<1x128xf32, #tpu.memory_space<vmem>>, vector<1x128xf32>
    %add3A_19 = vector.broadcast %get3A_18 : vector<1x128xf32> to vector<4096x128xf32>
    %add3A_20 = arith.addf %add3A, %add3A_19 : vector<4096x128xf32>
    %max3A = arith.constant 0.000000e+00 : f32
    %max3A_21 = vector.broadcast %max3A : f32 to vector<4096x128xf32>
    %max3A_22 = arith.maximumf %add3A_20, %max3A_21 : vector<4096x128xf32>
    %get3A_23 = arith.constant 0 : index
    %get3A_24 = arith.constant 0 : index
    %get3A_25 = vector.load %arg6[%get3A_23, %get3A_24] : memref<128x128xf32, #tpu.memory_space<vmem>>, vector<128x128xf32>
    %dot_general3A_26 = arith.constant dense<0.000000e+00> : vector<4096x128xf32>
    %dot_general3A_27 = tpu.matmul %max3A_22, %get3A_25, %dot_general3A_26 {dimension_numbers = #tpu.dot_dimension_numbers<[1], [0], [0], [1], [0, 0, 1, 1], [], []>, transpose_lhs_hint = false} : vector<4096x128xf32>, vector<128x128xf32>, vector<4096x128xf32> -> vector<4096x128xf32>
    %get3A_28 = arith.constant 0 : index
    %get3A_29 = arith.constant 0 : index
    %get3A_30 = vector.load %arg7[%get3A_28, %get3A_29] : memref<1x128xf32, #tpu.memory_space<vmem>>, vector<1x128xf32>
    %add3A_31 = vector.broadcast %get3A_30 : vector<1x128xf32> to vector<4096x128xf32>
    %add3A_32 = arith.addf %dot_general3A_27, %add3A_31 : vector<4096x128xf32>
    %max3A_33 = arith.constant 0.000000e+00 : f32
    %max3A_34 = vector.broadcast %max3A_33 : f32 to vector<4096x128xf32>
    %max3A_35 = arith.maximumf %add3A_32, %max3A_34 : vector<4096x128xf32>
    %get3A_36 = arith.constant 0 : index
    %get3A_37 = arith.constant 0 : index
    %get3A_38 = vector.load %arg8[%get3A_36, %get3A_37] : memref<1x128xf32, #tpu.memory_space<vmem>>, vector<1x128xf32>
    %mul3A = vector.broadcast %get3A_38 : vector<1x128xf32> to vector<4096x128xf32>
    %mul3A_39 = arith.mulf %max3A_35, %mul3A : vector<4096x128xf32>
    %reduce_sum3A = arith.constant dense<0.000000e+00> : vector<4096xf32>
    %reduce_sum3A_40 = vector.multi_reduction <add>, %mul3A_39, %reduce_sum3A [1] : vector<4096x128xf32> to vector<4096xf32>
    %broadcast_in_dim3A_41 = vector.shape_cast %reduce_sum3A_40 : vector<4096xf32> to vector<4096x1xf32>
    %reshape3A_42 = vector.shape_cast %broadcast_in_dim3A_41 : vector<4096x1xf32> to vector<128x32x1xf32>
    %reduce_max3A = arith.constant dense<0xFF800000> : vector<128x1xf32>
    %reduce_max3A_43 = vector.multi_reduction <maximumf>, %reshape3A_42, %reduce_max3A [1] : vector<128x32x1xf32> to vector<128x1xf32>
    %broadcast_in_dim3A_44 = vector.shape_cast %reduce_max3A_43 : vector<128x1xf32> to vector<128x1x1xf32>
    %sub3A = vector.broadcast %broadcast_in_dim3A_44 : vector<128x1x1xf32> to vector<128x32x1xf32>
    %sub3A_45 = arith.subf %reshape3A_42, %sub3A : vector<128x32x1xf32>
    %exp3A = math.exp %sub3A_45 : vector<128x32x1xf32>
    %reduce_sum3A_46 = arith.constant dense<0.000000e+00> : vector<128x1xf32>
    %reduce_sum3A_47 = vector.multi_reduction <add>, %exp3A, %reduce_sum3A_46 [1] : vector<128x32x1xf32> to vector<128x1xf32>
    %broadcast_in_dim3A_48 = vector.shape_cast %reduce_sum3A_47 : vector<128x1xf32> to vector<128x1x1xf32>
    %div3A = vector.broadcast %broadcast_in_dim3A_48 : vector<128x1x1xf32> to vector<128x32x1xf32>
    %div3A_49 = arith.divf %exp3A, %div3A : vector<128x32x1xf32>
    %reshape3A_50 = vector.shape_cast %get3A_1 : vector<4096x128xf32> to vector<128x32x128xf32>
    %mul3A_51 = vector.broadcast %div3A_49 : vector<128x32x1xf32> to vector<128x32x128xf32>
    %mul3A_52 = arith.mulf %mul3A_51, %reshape3A_50 : vector<128x32x128xf32>
    %reduce_sum3A_53 = arith.constant dense<0.000000e+00> : vector<128x128xf32>
    %reduce_sum3A_54 = vector.multi_reduction <add>, %mul3A_52, %reduce_sum3A_53 [1] : vector<128x32x128xf32> to vector<128x128xf32>
    %add3A_55 = arith.addf %reduce_sum3A_54, %get3A_4 : vector<128x128xf32>
    %mul3A_56 = arith.constant 5.000000e-01 : f32
    %mul3A_57 = vector.broadcast %mul3A_56 : f32 to vector<128x128xf32>
    %mul3A_58 = arith.mulf %add3A_55, %mul3A_57 : vector<128x128xf32>
    %swap3A = arith.constant 0 : index
    %swap3A_59 = arith.constant 0 : index
    %swap3A_60 = vector.load %arg9[%swap3A, %swap3A_59] : memref<128x128xf32, #tpu.memory_space<vmem>>, vector<128x128xf32>
    tpu.vector_store %arg9[%swap3A, %swap3A_59], %mul3A_58 {strides = array<i32>} : memref<128x128xf32, #tpu.memory_space<vmem>>, vector<128x128xf32>,
    return
  }
  func.func @transform_0(%arg0: i32) -> (i32, i32) {
    %c0_i32 = arith.constant 0 : i32
    %c0_i32_0 = arith.constant 0 : i32
    return %arg0, %c0_i32 : i32, i32
  }
  func.func @transform_1(%arg0: i32) -> (i32, i32) {
    %add3A = arith.constant 2528 : i32
    %add3A_0 = arith.addi %add3A, %arg0 : i32
    %c0_i32 = arith.constant 0 : i32
    %c0_i32_1 = arith.constant 0 : i32
    return %add3A_0, %c0_i32 : i32, i32
  }
  func.func @transform_2(%arg0: i32) -> (i32, i32) {
    %c0_i32 = arith.constant 0 : i32
    %c0_i32_0 = arith.constant 0 : i32
    %c0_i32_1 = arith.constant 0 : i32
    return %c0_i32, %c0_i32_0 : i32, i32
  }
  func.func @transform_3(%arg0: i32) -> (i32, i32) {
    %c0_i32 = arith.constant 0 : i32
    %c0_i32_0 = arith.constant 0 : i32
    %c0_i32_1 = arith.constant 0 : i32
    return %c0_i32, %c0_i32_0 : i32, i32
  }
  func.func @transform_4(%arg0: i32) -> (i32, i32) {
    %c0_i32 = arith.constant 0 : i32
    %c0_i32_0 = arith.constant 0 : i32
    %c0_i32_1 = arith.constant 0 : i32
    return %c0_i32, %c0_i32_0 : i32, i32
  }
  func.func @transform_5(%arg0: i32) -> (i32, i32) {
    %c0_i32 = arith.constant 0 : i32
    %c0_i32_0 = arith.constant 0 : i32
    %c0_i32_1 = arith.constant 0 : i32
    return %c0_i32, %c0_i32_0 : i32, i32
  }
  func.func @transform_6(%arg0: i32) -> (i32, i32) {
    %c0_i32 = arith.constant 0 : i32
    %c0_i32_0 = arith.constant 0 : i32
    %c0_i32_1 = arith.constant 0 : i32
    return %c0_i32, %c0_i32_0 : i32, i32
  }
  func.func @transform_7(%arg0: i32) -> (i32, i32) {
    %c0_i32 = arith.constant 0 : i32
    %c0_i32_0 = arith.constant 0 : i32
    %c0_i32_1 = arith.constant 0 : i32
    return %c0_i32, %c0_i32_0 : i32, i32
  }
  func.func @transform_8(%arg0: i32) -> (i32, i32) {
    %c0_i32 = arith.constant 0 : i32
    %c0_i32_0 = arith.constant 0 : i32
    return %arg0, %c0_i32 : i32, i32
  }
}

</mosaic_0001>

<sc_bundles>
// kernel: kernel.4.cloned.1.call-start
scs
__scs_entry_jumppad:
0x0: {  	(pc) =	sbr.rel $0x88, $3  }
0x1: {  	(tag) =	ssettag $0x0;
	lr =	simm.s32 $0x1  }
0x2: {  	[smem:$0x3F99] =	sst lr;
	_ =	strace $0xD0000000  }
0x3: {  	_ = 	snop  }
0x4: {  	_ = 	snop  }
0x5: {  	_ = 	snop  }
0x6: {  	_ = 	snop  }
0x7: {  	_ = 	snop  }
__scs_overlays_trampoline_lowered:
0x8: {  	[smem:$0x3FA8] =	sst s0  }
0x9: {  	[smem:$0x3FA9] =	sst s1  }
0xa: {  	[smem:$0x3FAA] =	sst s2  }
0xb: {  	[smem:$0x3FAB] =	sst s3  }
0xc: {  	[smem:$0x3FAC] =	sst s4  }
0xd: {  	[smem:$0x3FAD] =	sst s5  }
0xe: {  	[smem:$0x3FAE] =	sst s6  }
0xf: {  	[smem:$0x3FAF] =	sst s7  }
0x10: {  	[smem:$0x3FB0] =	sst s8  }
0x11: {  	[smem:$0x3FB1] =	sst s9;
	s0 =	simm.s32 @!p0 $0x0  }
0x12: {  	s1 =	sld [smem:$0x3F97];
	s0 =	simm.s32 @p0 $0x1  }
0x13: {  	[smem:$0x3FB2] =	sst s0;
	s0 =	simm.s32 @!p1 $0x0  }
0x14: {  	s2 =	sld [smem:$0x3F96];
	s0 =	simm.s32 @p1 $0x1  }
0x15: {  	[smem:$0x3FB3] =	sst s0;
	s0 =	simm.s32 @!p2 $0x0  }
0x16: {  	s3 =	sld [smem:$0x3FDB];
	s0 =	simm.s32 @p2 $0x1  }
0x17: {  	s4 =	simm.s32 $0x1BF5;
	[smem:$0x3FB5] =	sst s0  }
0x18: {  	s0 =	sld [smem:$0x3F98];
	_ =	swait.ge [sflag:s4], $0x0  }
0x19: {  	s7 =	sld [smem:$0x3F99]  }
0x1a: {  	s8 =	sadd.s32 $0xFFFFE003, lr  }
0x1b: {  	s9 =	sadd.s32 $0xFFFFFEF7, lr;
	s5 =	simm.s32 $0xFFFFFFFF;
	p2 =	slt.u32 s8, $0xFFFFF086  }
0x1c: {  	p1 =	slt.u32 s9, $0xF7A;
	s5 =	simm.s32 @!p2 $0x0  }
0x1d: {  	s5 =	simm.s32 @p1 $0x1;
	p0 =	seq.s32 s7, s2  }
0x1e: {  	s7 =	smul.u32 @!p0 $0xF7A, s2;
	p2 =	seq.s32 @!p0 s5, $0x0  }
0x1f: {  	s9 =	smul.u32 $0xF7A, s1;
	s8 =	simm.s32 @!p0 $0x1BF5;
	p2 =	por !p2, p0  }
0x20: {  	[sflag:s8] =	ssyncset.s32 @!p0 $0xFFFFF086;
	s6 =	sadd.s32 @!p0 s3, s7;
	s7 =	simm.s32 @!p0 $0x108  }
0x21: {  	s3 =	sadd.s32 s3, s9;
	s6 =	sadd.s32 @!p0 $0x88, s6;
	s7 =	simm.s32 @p2 $0x1082  }
0x22: {  	[simem:s7], [sflag:s8] =	dma.local @!p0 [hbm:s6], $0xF7A  }
0x23: {  	s9 =	sor.u32 $0xD0000000, s2;
	s6 =	simm.s32 $0x108;
	_ =	swait.ge @!p0 [sflag:s8], $0x0  }
0x24: {  	s3 =	sadd.s32 $0x88, s3;
	s6 =	simm.s32 @!p1 $0x1082;
	[sflag:s4] =	ssyncset.s32 $0xFFFFF086  }
0x25: {  	[simem:s6], [sflag:s4] =	dma.local [hbm:s3], $0xF7A  }
0x26: {  	[smem:$0x3F99] =	sst s1;
	(tag) =	ssettag s2;
	_ =	strace s9  }
0x27: {  	s1 =	sld [smem:$0x3FA9]  }
0x28: {  	s2 =	sld [smem:$0x3FAA]  }
0x29: {  	s4 =	sld [smem:$0x3FAC]  }
0x2a: {  	p0 =	seq.s32 s5, $0x0;
	s5 =	sld [smem:$0x3FAD]  }
0x2b: {  	s6 =	sld [smem:$0x3FAE]  }
0x2c: {  	s7 =	sld [smem:$0x3FAF]  }
0x2d: {  	s3 =	simm.s32 $0x108;
	s8 =	sld [smem:$0x3FB0]  }
0x2e: {  	s3 =	simm.s32 @!p0 $0x1082;
	s9 =	sld [smem:$0x3FB1]  }
0x2f: {  	lr =	sadd.s32 s0, s3;
	s0 =	sld [smem:$0x3FA8]  }
0x30: {  	s3 =	sld [smem:$0x3FAB]  }
0x31: {  	[smem:$0x3FB4] =	sst s10  }
0x32: {  	s10 =	sld [smem:$0x3FB2];
	_ =	sdelay $0x3  }
0x33: {  	p0 =	seq.s32 s10, $0x1;
	s10 =	sld [smem:$0x3FB4];
	_ =	sdelay $0x3  }
0x34: {  	[smem:$0x3FB4] =	sst s10  }
0x35: {  	s10 =	sld [smem:$0x3FB3];
	_ =	sdelay $0x3  }
0x36: {  	p1 =	seq.s32 s10, $0x1;
	s10 =	sld [smem:$0x3FB4];
	_ =	sdelay $0x3  }
0x37: {  	[smem:$0x3FB4] =	sst s10  }
0x38: {  	s10 =	sld [smem:$0x3FB5]  }
0x39: {  	_ = 	snop;
	(pc) =	sbr.ind lr, $3  }
0x3a: {  	_ = 	snop  }
0x3b: {  	_ = 	snop  }
0x3c: {  	p2 =	seq.s32 s10, $0x1;
	s10 =	sld [smem:$0x3FB4]  }
0x3d: {  	_ =	shalt  }
0x3e: {  	_ =	shalt  }
0x3f: {  	_ =	shalt  }
0x40: {  	_ =	shalt  }
0x41: {  	_ =	shalt  }
0x42: {  	_ =	shalt  }
0x43: {  	_ =	shalt  }
0x44: {  	_ =	shalt  }
0x45: {  	_ =	shalt  }
0x46: {  	_ =	shalt  }
0x47: {  	_ =	shalt  }
0x48: {  	_ =	shalt  }
0x49: {  	_ =	shalt  }
0x4a: {  	_ =	shalt  }
0x4b: {  	_ =	shalt  }
0x4c: {  	_ =	shalt  }
0x4d: {  	_ =	shalt  }
0x4e: {  	_ =	shalt  }
0x4f: {  	_ =	shalt  }
0x50: {  	_ =	shalt  }
0x51: {  	_ =	shalt  }
0x52: {  	_ =	shalt  }
0x53: {  	_ =	shalt  }
0x54: {  	_ =	shalt  }
0x55: {  	_ =	shalt  }
0x56: {  	_ =	shalt  }
0x57: {  	_ =	shalt  }
0x58: {  	_ =	shalt  }
0x59: {  	_ =	shalt  }
0x5a: {  	_ =	shalt  }
0x5b: {  	_ =	shalt  }
0x5c: {  	_ =	shalt  }
0x5d: {  	_ =	shalt  }
0x5e: {  	_ =	shalt  }
0x5f: {  	_ =	shalt  }
0x60: {  	_ =	shalt  }
0x61: {  	_ =	shalt  }
0x62: {  	_ =	shalt  }
0x63: {  	_ =	shalt  }
0x64: {  	_ =	shalt  }
0x65: {  	_ =	shalt  }
0x66: {  	_ =	shalt  }
0x67: {  	_ =	shalt  }
0x68: {  	_ =	shalt  }
0x69: {  	_ =	shalt  }
0x6a: {  	_ =	shalt  }
0x6b: {  	_ =	shalt  }
0x6c: {  	_ =	shalt  }
0x6d: {  	_ =	shalt  }
0x6e: {  	_ =	shalt  }
0x6f: {  	_ =	shalt  }
0x70: {  	_ =	shalt  }
0x71: {  	_ =	shalt  }
0x72: {  	_ =	shalt  }
0x73: {  	_ =	shalt  }
0x74: {  	_ =	shalt  }
0x75: {  	_ =	shalt  }
0x76: {  	_ =	shalt  }
0x77: {  	_ =	shalt  }
0x78: {  	_ =	shalt  }
0x79: {  	_ =	shalt  }
0x7a: {  	_ =	shalt  }
0x7b: {  	_ =	shalt  }
0x7c: {  	_ =	shalt  }
0x7d: {  	_ =	shalt  }
0x7e: {  	_ =	shalt  }
0x7f: {  	_ =	shalt  }
0x80: {  	_ =	shalt  }
0x81: {  	_ =	shalt  }
0x82: {  	_ =	shalt  }
0x83: {  	_ =	shalt  }
0x84: {  	_ =	shalt  }
0x85: {  	_ =	shalt  }
0x86: {  	_ =	shalt  }
0x87: {  	_ =	shalt  }
.Lfunc_end0:
.L_simem_size_0:
called_computation_lowered:
.L_overlay_start_0:
0x88: {  	s2 =	sld [smem:$0x3FD9]  }
0x89: {  	s3 =	sld [smem:$0x3FFE];
	_ =	sdelay $0x1  }
0x8a: {  	s1 =	srdreg.scid  }
0x8b: {  	s0 =	sand.u32 $0x1, s1  }
0x8c: {  	s17 =	sshll.u32 s0, $0xA;
	s2 =	sadd.s32 s3, s2  }
0x8d: {  	s2 =	sadd.s32 s2, s17  }
0x8e: {  	[smem:$0x3FC0] =	sst s2  }
0x8f: {  	_ = 	snop  }
0x90: {  	s2 =	sld [smem:$0x3FC7]  }
0x91: {  	s18 =	sld [smem:$0x3FD0];
	(tm) =	ssettm $0x1  }
0x92: {  	s4 =	sld [smem:$0x3FFB];
	_ =	sdelay $0x3  }
0x93: {  	_ =	strace s4  }
0x94: {  	s4 =	sld [smem:$0x3FFC];
	_ =	sdelay $0x3  }
0x95: {  	_ =	strace s4  }
0x96: {  	s4 =	sld [smem:$0x3FFD];
	_ =	sdelay $0x3  }
0x97: {  	_ =	strace s4  }
0x98: {  	_ =	strace $0x8FFFFFFF  }
0x99: {  	s19 =	sld [smem:$0x3FDB];
	_ =	sdelay $0x1  }
0x9a: {  	s5 =	simm.s32 $_scs_section_size  }
0x9b: {  	s6 =	simm.s32 $_size__tile_overlayer_lowered;
	s7 =	simm.s32 $_tile_overlayer_lowered  }
0x9c: {  	s22 =	simm.s32 $0x1BFF;
	s21 =	sshll.u32 s7, $0x1;
	s4 =	sadd.s32 s5, s19  }
0x9d: {  	s8 =	simm.s32 $0x0;
	s20 =	sshll.u32 s6, $0x1;
	s6 =	sadd.s32 s21, s4  }
0x9e: {  	[timem:s8], [sflag:s22] =	dma.local [hbm:s6], s20  }
0x9f: {  	_ =	swait.ge [sflag:s22], s20  }
0xa0: {  	s5 =	ssub.s32 $0x0, s20;
	[sflag:s22] =	ssyncset.done $0x0  }
0xa1: {  	[sflag:s22] =	ssyncadd.s32 s5;
	_ =	sdelay $0x1  }
0xa2: {  	s23 =	simm.s32 $0x1B8B  }
0xa3: {  	_ =	swait.ge [sflag:s23], $0x1  }
0xa4: {  	[sflag:s23] =	ssyncset.done $0x0  }
0xa5: {  	s25 =	simm.s32 $0x1B8E;
	s24 =	sld [smem:$0x3FFE];
	[sflag:s23] =	ssyncadd.s32 $0xFFFFFFFF  }
0xa6: {  	s26 =	simm.s32 $execute0_lowered;
	[smem:$0x3FD2] =	sst s25  }
0xa7: {  	s6 =	sshll.u32 s26, $0x1;
	_ =	strace $0x80000046;
	[dreg:$0x1] =	wrdreg $0xFFFFFFFF  }
0xa8: {  	s28 =	simm.s32 $_size_execute0_lowered;
	s4 =	sadd.s32 s4, s6;
	[dreg:$0x0] =	wrdreg $0x0  }
0xa9: {  	s6 =	sshll.u32 s28, $0x1;
	[dreg:$0x2] =	wrdreg s4  }
0xaa: {  	[dreg:$0x3] =	wrdreg s6  }
0xab: {  	[dreg:$0x4] =	wrdreg $0xC0  }
0xac: {  	_ =	task [dreg:s8], $0x5FFFF  }
0xad: {  	[dreg:$0x1] =	wrdreg $0xFFFFFFFF  }
0xae: {  	[dreg:$0x0] =	wrdreg $0x60  }
0xaf: {  	[dreg:$0x2] =	wrdreg s2  }
0xb0: {  	[dreg:$0x3] =	wrdreg s18  }
0xb1: {  	[dreg:$0x4] =	wrdreg s24  }
0xb2: {  	[dreg:$0x5] =	wrdreg $0x9  }
0xb3: {  	_ =	task.clear_ibuf [dreg:s8], $0x6FFFF;
	_ =	strace $0x90000046  }
0xb4: {  	s29 =	simm.s32 $0x9;
	_ =	strace $0x80000048  }
0xb5: {  	_ =	swait.ge [sflag:s29], $0x1  }
0xb6: {  	[sflag:s29] =	ssyncadd.s32 $0xFFFFFFFF  }
0xb7: {  	_ =	strace $0x90000048  }
0xb8: {  	_ =	sfence  }
0xb9: {  	s30 =	sld [smem:$0x0];
	_ =	sdelay $0x2  }
0xba: {  	s31 =	sshll.u32 s1, $0xD;
	s1 =	sshrl.u32 s1, $0x2  }
0xbb: {  	s3 =	sand.u32 $0x4000, s31;
	s1 =	sadd.s32 s1, s30  }
0xbc: {  	s0 =	sor.u32 s3, s0;
	s1 =	sshll.u32 s1, $0x11  }
0xbd: {  	s0 =	sor.u32 s1, s0  }
0xbe: {  	s0 =	sadd.s32 $0x8F2B, s0  }
0xbf: {  	[sflag:s0] =	ssyncadd.remote.s32 $0x1  }
0xc0: {  	_ =	sfence.sel $0xFFFF  }
0xc1: {  	[dreg:$0x0] =	wrdreg $0xFFFFFFFF;
	(pc) =	sbr.abs _section_cstart, $3  }
0xc2: {  	[dreg:$0x1] =	wrdreg $0xFFFFFFFF  }
0xc3: {  	_ =	task.clear_ibuf [dreg:s8], $0x2FFFF;
	_ =	strace $0x9FFFFFFF  }
0xc4: {  	(tm) =	ssettm $0x7FFFFFFF  }
0xc5: {  	_ =	shalt  }
tec
execute0_lowered:
.L_overlay_start_1:
0x0: {  	(tag) =	ssettag $0x1  }
0x1: {  	s1 =	rddreg [dreg:$0x0];
	s2 =	srdreg.scid  }
0x2: {  	s0 =	stileid.u32;
	s6 =	rddreg [dreg:$0x1]  }
0x3: {  	s4 =	rddreg [dreg:$0x2];
	s3 =	simm.s32 $0x0;
	s14 =	simm.s32 $0x1  }
0x4: {  	s15 =	simm.s32 $0x6C00;
	s16 =	simm.s32 $0x2;
	s10 =	smul.u32 $0x290000, s0  }
0x5: {  	s17 =	simm.s32 $0x0;
	s8 =	sand.u32 $0x1, s2;
	s29 =	smul.u32 $0x52000, s0  }
0x6: {  	s28 =	sshll.u32 s0, $0x1;
	s2 =	rddreg [dreg:$0x3];
	s12 =	smul.u32 $0x148000, s8  }
0x7: {  	[smem:$0x7FF] =	sst s3;
	s5 =	sor.u32 s8, s28;
	s13 =	smul.u32 $0x29000, s8  }
0x8: {  	s4 =	sadd.s32 $0x1600, s4;
	s9 =	ssub.s32 $0x2, s8;
	s7 =	smul.u32 $0x580, s5  }
0x9: {  	_ =	strace $0x80000047;
	s5 =	smul.u32 $0x29000, s5;
	s11 =	sshrl.u32 s9, $0x1  }
0xa: {  	s31 =	sadd.s32 s29, s4;
	s9 =	ssub.s32 s9, s11;
	s30 =	sadd.s32 s12, s10  }
0xb: {  	s10 =	sadd.s32 s13, s31;
	s11 =	simm.s32 $0x3;
	s12 =	simm.s32 $0x80  }
0xc: {  	s13 =	simm.s32 $0x2C00;
	s5 =	sadd.s32 s4, s5;
	s6 =	sadd.s32 s6, s7  }
0xd: {  	s8 =	smax.u32 s9, $0x1;
	s9 =	sadd.s32 $0x8000, s30;
	s7 =	sadd.s32 $0x800, s5  }
.LBB2_1:
0xe: {  	[tilespmem:s3], [sflag:$0x3] =	stream.linear.gather [hbm4b:s6+s3], $0x2980, $0x38;
	[tilespmem:$0xAC00] =	vst v63  }
0xf: {  	_ =	swait.ge [sflag:s11], $0x2980  }
0x10: {  	[sflag:s11] =	ssyncset.done $0x0  }
0x11: {  	[sflag:s11] =	ssyncadd.s32 $0xFFFFD680  }
0x12: {  	[tilespmem:s13], [sflag:$0x1] =	stream.indirect.gather [hbm4b:s1+s12], $0x80, s3, s12, $0xb8;
	[tilespmem:$0xAC00] =	vst v63  }
0x13: {  	_ =	swait.ge [sflag:s14], $0x4000  }
0x14: {  	[sflag:s14] =	ssyncset.done $0x0  }
0x15: {  	[sflag:s14] =	ssyncadd.s32 $0xFFFFC000  }
0x16: {  	[hbm4b:s5+s3] =	stream.linear.scatter [tilespmem:s13], [sflag:$0x1], $0x4000, $0x38;
	[tilespmem:$0xAC00] =	vst v63  }
0x17: {  	_ = 	snop  }
0x18: {  	[tilespmem:s15], [sflag:$0x2] =	stream.indirect.gather [hbm4b:s1+s12], $0x80, s12, s12, $0xb8;
	[tilespmem:$0xAC00] =	vst v63  }
0x19: {  	_ =	swait.ge [sflag:s16], $0x4000  }
0x1a: {  	[sflag:s16] =	ssyncset.done $0x0  }
0x1b: {  	[sflag:s16] =	ssyncadd.s32 $0xFFFFC000  }
0x1c: {  	[hbm4b:s7+s3] =	stream.linear.scatter [tilespmem:s15], [sflag:$0x2], $0x4000, $0x38;
	[tilespmem:$0xAC00] =	vst v63  }
0x1d: {  	_ =	swait.ge [sflag:s14], $0x4000  }
0x1e: {  	[sflag:s14] =	ssyncset.done $0x0  }
0x1f: {  	s18 =	simm.s32 $0x100;
	[sflag:s14] =	ssyncadd.s32 $0xFFFFC000  }
0x20: {  	[tilespmem:s13], [sflag:$0x1] =	stream.indirect.gather [hbm4b:s1+s12], $0x80, s18, s12, $0xb8;
	[tilespmem:$0xAC00] =	vst v63  }
0x21: {  	_ =	swait.ge [sflag:s14], $0x4000  }
0x22: {  	s30 =	sshrl.u32 s9, $0x3;
	[sflag:s14] =	ssyncset.done $0x0  }
0x23: {  	s18 =	sadd.s32 s4, s30;
	[sflag:s14] =	ssyncadd.s32 $0xFFFFC000  }
0x24: {  	[hbm4b:s18+s3] =	stream.linear.scatter [tilespmem:s13], [sflag:$0x1], $0x4000, $0x38;
	[tilespmem:$0xAC00] =	vst v63  }
0x25: {  	_ =	swait.ge [sflag:s16], $0x4000  }
0x26: {  	[sflag:s16] =	ssyncset.done $0x0  }
0x27: {  	s31 =	simm.s32 $0x180;
	[sflag:s16] =	ssyncadd.s32 $0xFFFFC000  }
0x28: {  	[tilespmem:s15], [sflag:$0x2] =	stream.indirect.gather [hbm4b:s1+s12], $0x80, s31, s12, $0xb8;
	[tilespmem:$0xAC00] =	vst v63  }
0x29: {  	_ =	swait.ge [sflag:s16], $0x4000  }
0x2a: {  	s19 =	simm.s32 $0x200;
	s21 =	sadd.s32 $0x1800, s10;
	[sflag:s16] =	ssyncset.done $0x0  }
0x2b: {  	s20 =	sadd.s32 $0x8000, s9;
	s18 =	simm.s32 $0x2800;
	[sflag:s16] =	ssyncadd.s32 $0xFFFFC000  }
.LBB2_2:
0x2c: {  	[hbm4b:s21+s3] =	stream.linear.scatter [tilespmem:s15], [sflag:$0x2], $0x4000, $0x38;
	[tilespmem:$0xAC00] =	vst v63  }
0x2d: {  	s21 =	smov.u32 s18  }
0x2e: {  	p0 =	sne.s32 s18, $0x28800;
	s18 =	sadd.s32 $0x1000, s18;
	_ =	swait.ge [sflag:s14], $0x4000  }
0x2f: {  	[sflag:s14] =	ssyncset.done $0x0  }
0x30: {  	[sflag:s14] =	ssyncadd.s32 $0xFFFFC000  }
0x31: {  	[tilespmem:s13], [sflag:$0x1] =	stream.indirect.gather [hbm4b:s1+s12], $0x80, s19, s12, $0xb8;
	[tilespmem:$0xAC00] =	vst v63  }
0x32: {  	_ =	swait.ge [sflag:s14], $0x4000  }
0x33: {  	s22 =	sshrl.u32 s20, $0x3;
	[sflag:s14] =	ssyncset.done $0x0  }
0x34: {  	s22 =	sadd.s32 s4, s22;
	[sflag:s14] =	ssyncadd.s32 $0xFFFFC000  }
0x35: {  	[hbm4b:s22+s3] =	stream.linear.scatter [tilespmem:s13], [sflag:$0x1], $0x4000, $0x38;
	[tilespmem:$0xAC00] =	vst v63  }
0x36: {  	_ =	swait.ge [sflag:s16], $0x4000  }
0x37: {  	[sflag:s16] =	ssyncset.done $0x0  }
.Ltmp0:
0x38: {  	s22 =	sadd.s32 $0x80, s19;
	[sflag:s16] =	ssyncadd.s32 $0xFFFFC000;
	(pc) =	sbr.rel @p0 .LBB2_2-.Ltmp0, $4  }
0x39: {  	[tilespmem:s15], [sflag:$0x2] =	stream.indirect.gather [hbm4b:s1+s12], $0x80, s22, s12, $0xb8;
	[tilespmem:$0xAC00] =	vst v63  }
0x3a: {  	_ =	swait.ge [sflag:s16], $0x4000  }
0x3b: {  	s19 =	sadd.s32 $0x100, s19;
	[sflag:s16] =	ssyncset.done $0x0  }
0x3c: {  	s20 =	sadd.s32 $0x8000, s20;
	s21 =	sadd.s32 s21, s10;
	[sflag:s16] =	ssyncadd.s32 $0xFFFFC000  }
0x3d: {  	[hbm4b:s21+s3] =	stream.linear.scatter [tilespmem:s15], [sflag:$0x2], $0x4000, $0x38;
	[tilespmem:$0xAC00] =	vst v63  }
0x3e: {  	s17 =	sadd.s32 $0x1, s17  }
0x3f: {  	_ =	swait.ge [sflag:s14], $0x4000;
	p0 =	sne.s32 s17, s8  }
.Ltmp1:
0x40: {  	[sflag:s14] =	ssyncset.done $0x0;
	(pc) =	sbr.rel @p0 .LBB2_1-.Ltmp1, $4  }
0x41: {  	[sflag:s14] =	ssyncadd.s32 $0xFFFFC000  }
0x42: {  	_ =	swait.ge [sflag:s16], $0x4000  }
0x43: {  	[sflag:s16] =	ssyncset.done $0x0  }
0x44: {  	[sflag:s16] =	ssyncadd.s32 $0xFFFFC000  }
0x45: {  	_ =	sfence.sel $0x180000  }
0x46: {  	[bflag:$0x0] =	sbarrier.arrive $0xFFFF  }
0x47: {  	p0 =	sne.s32 s0, $0x0;
	_ =	strace $0x90000047  }
0x48: {  	s0 =	sadd.s32 @!p0 $0x100000, s2;
	[bflag:$0x2] =	sbarrier.arrive $0xFFFF  }
0x49: {  	[sflag:s0] =	ssyncadd.tile.s32 @!p0 $0x1;
	_ =	shalt  }
.Lfunc_end2:
_tile_overlayer_lowered:
.L_overlay_start_2:
0x4a: {  	(tag) =	ssettag $0x2  }
0x4b: {  	s0 =	rddreg [dreg:$0x0];
	s2 =	stileid.u32  }
0x4c: {  	s1 =	rddreg [dreg:$0x1];
	p0 =	sne.s32 s2, $0x0  }
0x4d: {  	s3 =	rddreg [dreg:$0x2];
	[bflag:$0x3] =	sbarrier.arrive $0xFFFF;
	s2 =	simm.s32 @!p0 $0x1C03  }
0x4e: {  	[timem:s3], [sflag:s2] =	dma.local @!p0 [hbm:s0], s1  }
0x4f: {  	s0 =	simm.s32 @!p0 $0x3  }
0x50: {  	_ =	swait.ge @!p0 [sflag:s0], s1  }
0x51: {  	s1 =	ssub.s32 @!p0 $0x0, s1;
	[sflag:s0] =	ssyncset.done @!p0 $0x0  }
0x52: {  	[sflag:s0] =	ssyncadd.s32 @!p0 s1  }
0x53: {  	[bflag:$0x3] =	sbarrier.arrive $0xFFFF  }
0x54: {  	_ =	shalt  }

</sc_bundles>
